<compile_context>
chip_gen: v7x
topology: tpu7x:2x2x1
jax: 0.10.2.dev20260603
libtpu: 0.0.44.dev20260713+nightly
codegen_flags: <defaults>
</compile_context>

<pallas_src>
import functools

import jax
import jax.numpy as jnp
from jax import lax
from jax.experimental import pallas as pl
from jax.experimental.pallas import tpu as pltpu
from jax.experimental.pallas import tpu_sc as plsc

_B, _T, _F = 16, 2048, 80
_HALF_T = _T // 2
_CHUNK_T = 256
_NCHUNK = _HALF_T // _CHUNK_T


@functools.partial(
    pl.kernel,
    out_type=[
        jax.ShapeDtypeStruct((_B, _T, _F), jnp.float32),
        jax.ShapeDtypeStruct((_B,), jnp.int32),
    ],
    mesh=plsc.VectorSubcoreMesh(core_axis_name="c", subcore_axis_name="s"),
    scratch_types=[
        pltpu.VMEM((_CHUNK_T, _F), jnp.float32),
        pltpu.VMEM((_CHUNK_T, _F), jnp.float32),
        pltpu.VMEM((_B,), jnp.int32),
        pltpu.SemaphoreType.DMA,
        pltpu.SemaphoreType.DMA,
        pltpu.SemaphoreType.DMA,
        pltpu.SemaphoreType.DMA,
    ],
)
def _sc_materialize(wav_hbm, len_hbm, wav_out, len_out,
                    buf0, buf1, len_buf, isem0, isem1, osem0, osem1):
    c = lax.axis_index("c")
    s = lax.axis_index("s")
    wid = s * 2 + c
    b = wid // 2
    t0 = (wid % 2) * _HALF_T

    bufs = (buf0, buf1)
    isems = (isem0, isem1)
    osems = (osem0, osem1)

    def in_cp(k):
        return pltpu.make_async_copy(
            wav_hbm.at[b, pl.ds(t0 + k * _CHUNK_T, _CHUNK_T)],
            bufs[k % 2], isems[k % 2])

    def out_cp(k):
        return pltpu.make_async_copy(
            bufs[k % 2],
            wav_out.at[b, pl.ds(t0 + k * _CHUNK_T, _CHUNK_T)],
            osems[k % 2])

    in_cp(0).start()
    in_cp(1).start()
    in_cp(0).wait()
    out_cp(0).start()
    in_cp(1).wait()
    out_cp(1).start()
    out_cp(0).wait()
    in_cp(2).start()
    out_cp(1).wait()
    in_cp(3).start()
    in_cp(2).wait()
    out_cp(2).start()
    in_cp(3).wait()
    out_cp(3).start()

    @pl.when(wid == 0)
    def _():
        pltpu.sync_copy(len_hbm, len_buf)
        pltpu.sync_copy(len_buf, len_out)

    out_cp(2).wait()
    out_cp(3).wait()


def kernel(wav_batch, lengths):
    lengths_i32 = jnp.asarray(lengths).astype(jnp.int32)
    wav_out, len_out = _sc_materialize(wav_batch, lengths_i32)
    return wav_out, len_out

# --- scband reference (transcript-rebuilt; emitter-appended) ---
"""Pipeline reference for scband-splayer-5669356832350 (READ-ONLY COPY).

The authoritative reference and input builder live on the scoring server;
editing this copy changes nothing except your own understanding.
"""

import jax, jax.numpy as jnp
import numpy as np


def setup_inputs(seed: int = 0) -> dict:
    key = jax.random.key(seed)
    k1, k2 = jax.random.split(key)
    wav_batch = jax.random.normal(k1, (16, 2048, 80), dtype=jnp.float32)
    lengths = jax.random.randint(k2, (16,), 0, 2048)
    return {"wav_batch": wav_batch, "lengths": lengths}


def reference(wav_batch, lengths):
    # SPLayer with feature_type='offline': self.func is None, so the forward
    # is a pass-through: padded_features = torch.tensor(wav_batch),
    # feature_lengths = torch.tensor(lengths).long(). No spec_aug (not in config).
    padded_features = jnp.asarray(wav_batch)
    feature_lengths = jnp.asarray(lengths).astype(jnp.int32)
    return (padded_features, feature_lengths)

if __name__ == "__main__":
    import jax
    _d = setup_inputs()
    print(jax.jit(kernel)(*tuple(_d.values())))

</pallas_src>

<mosaic_0001>
#map = affine_map<(d0, d1) -> (0, 0, 0)>
#map1 = affine_map<(d0, d1) -> (0)>
module attributes {stable_mosaic.version = 14 : i64} {
  func.func @_sc_materialize(%arg0: i32, %arg1: i32, %arg2: memref<16x2048x80xf32, #tpu.memory_space<hbm>>, %arg3: memref<16xi32, #tpu.memory_space<hbm>>, %arg4: memref<16x2048x80xf32, #tpu.memory_space<hbm>>, %arg5: memref<16xi32, #tpu.memory_space<hbm>>, %arg6: memref<256x80xf32, #tpu.memory_space<vmem>>, %arg7: memref<256x80xf32, #tpu.memory_space<vmem>>, %arg8: memref<16xi32, #tpu.memory_space<vmem>>, %arg9: memref<!tpu.dma_semaphore, #tpu.memory_space<semaphore_mem>>, %arg10: memref<!tpu.dma_semaphore, #tpu.memory_space<semaphore_mem>>, %arg11: memref<!tpu.dma_semaphore, #tpu.memory_space<semaphore_mem>>, %arg12: memref<!tpu.dma_semaphore, #tpu.memory_space<semaphore_mem>>) attributes {dimension_semantics = [#tpu.dimension_semantics<core_parallel>, #tpu.dimension_semantics<subcore_parallel>], iteration_bounds = array<i64: 2, 16>, scalar_prefetch = 0 : i64, scratch_operands = 7 : i64, tpu.core_type = #tpu.core_type<sc_vector_subcore>, window_params = [{transform_indices = #map}, {transform_indices = #map1}, {transform_indices = #map}, {transform_indices = #map1}]} {
    %mul3A = arith.constant 2 : i32
    %mul3A_0 = arith.muli %arg1, %mul3A : i32
    %add3A = arith.addi %mul3A_0, %arg0 : i32
    %jit3A = arith.constant 2 : i32
    %div3A = arith.divsi %add3A, %jit3A : i32
    %sign3A = arith.constant 0 : i32
    %sign3A_1 = arith.cmpi sgt, %add3A, %sign3A : i32
    %sign3A_2 = arith.extui %sign3A_1 : i1 to i32
    %sign3A_3 = arith.constant 0 : i32
    %sign3A_4 = arith.cmpi slt, %add3A, %sign3A_3 : i32
    %sign3A_5 = arith.extui %sign3A_4 : i1 to i32
    %sign3A_6 = arith.subi %sign3A_2, %sign3A_5 : i32
    %sign3A_7 = arith.constant 0 : i32
    %sign3A_8 = arith.cmpi sgt, %jit3A, %sign3A_7 : i32
    %sign3A_9 = arith.extui %sign3A_8 : i1 to i32
    %sign3A_10 = arith.constant 0 : i32
    %sign3A_11 = arith.cmpi slt, %jit3A, %sign3A_10 : i32
    %sign3A_12 = arith.extui %sign3A_11 : i1 to i32
    %sign3A_13 = arith.subi %sign3A_9, %sign3A_12 : i32
    %ne3A = arith.cmpi ne, %sign3A_6, %sign3A_13 : i32
    %rem3A = arith.remsi %add3A, %jit3A : i32
    %ne3A_14 = arith.constant 0 : i32
    %ne3A_15 = arith.cmpi ne, %rem3A, %ne3A_14 : i32
    %and3A = arith.andi %ne3A, %ne3A_15 : i1
    %sub3A = arith.constant 1 : i32
    %sub3A_16 = arith.subi %div3A, %sub3A : i32
    %select_n3A = arith.select %and3A, %sub3A_16, %div3A : i32
    %jit3A_17 = arith.constant 2 : i32
    %eq3A = arith.constant 0 : i32
    %eq3A_18 = arith.cmpi eq, %jit3A_17, %eq3A : i32
    %jit3A_19 = arith.constant 1 : i32
    %select_n3A_20 = arith.select %eq3A_18, %jit3A_19, %jit3A_17 : i32
    %rem3A_21 = arith.remsi %add3A, %select_n3A_20 : i32
    %ne3A_22 = arith.constant 0 : i32
    %ne3A_23 = arith.cmpi ne, %rem3A_21, %ne3A_22 : i32
    %lt3A = arith.constant 0 : i32
    %lt3A_24 = arith.cmpi slt, %rem3A_21, %lt3A : i32
    %lt3A_25 = arith.constant 0 : i32
    %lt3A_26 = arith.cmpi slt, %select_n3A_20, %lt3A_25 : i32
    %ne3A_27 = arith.xori %lt3A_24, %lt3A_26 : i1
    %and3A_28 = arith.andi %ne3A_27, %ne3A_23 : i1
    %add3A_29 = arith.addi %rem3A_21, %select_n3A_20 : i32
    %select_n3A_30 = arith.select %and3A_28, %add3A_29, %rem3A_21 : i32
    %mul3A_31 = arith.constant 1024 : i32
    %mul3A_32 = arith.muli %select_n3A_30, %mul3A_31 : i32
    %add3A_33 = arith.constant 0 : i32
    %add3A_34 = arith.addi %mul3A_32, %add3A_33 : i32
    %dma_start3A = arith.constant 0 : i32
    %dma_start3A_35 = tpu.memref_slice %arg2[%select_n3A, %add3A_34, %dma_start3A] : memref<16x2048x80xf32, #tpu.memory_space<hbm>> -> memref<1x256x80xf32, #tpu.memory_space<hbm>>
    %dma_start3A_36 = tpu.memref_squeeze %dma_start3A_35 : memref<1x256x80xf32, #tpu.memory_space<hbm>> -> memref<256x80xf32, #tpu.memory_space<hbm>>
    %dma_start3A_37 = arith.constant 0 : i32
    %dma_start3A_38 = tpu.memref_slice %arg2[%select_n3A, %add3A_34, %dma_start3A_37] : memref<16x2048x80xf32, #tpu.memory_space<hbm>> -> memref<1x256x80xf32, #tpu.memory_space<hbm>>
    %dma_start3A_39 = tpu.memref_squeeze %dma_start3A_38 : memref<1x256x80xf32, #tpu.memory_space<hbm>> -> memref<256x80xf32, #tpu.memory_space<hbm>>
    tpu.enqueue_dma source(%dma_start3A_39 : memref<256x80xf32, #tpu.memory_space<hbm>>) target(%arg6 : memref<256x80xf32, #tpu.memory_space<vmem>>) target_semaphore(%arg9 : memref<!tpu.dma_semaphore, #tpu.memory_space<semaphore_mem>>)
    %add3A_40 = arith.constant 256 : i32
    %add3A_41 = arith.addi %mul3A_32, %add3A_40 : i32
    %dma_start3A_42 = arith.constant 0 : i32
    %dma_start3A_43 = tpu.memref_slice %arg2[%select_n3A, %add3A_41, %dma_start3A_42] : memref<16x2048x80xf32, #tpu.memory_space<hbm>> -> memref<1x256x80xf32, #tpu.memory_space<hbm>>
    %dma_start3A_44 = tpu.memref_squeeze %dma_start3A_43 : memref<1x256x80xf32, #tpu.memory_space<hbm>> -> memref<256x80xf32, #tpu.memory_space<hbm>>
    %dma_start3A_45 = arith.constant 0 : i32
    %dma_start3A_46 = tpu.memref_slice %arg2[%select_n3A, %add3A_41, %dma_start3A_45] : memref<16x2048x80xf32, #tpu.memory_space<hbm>> -> memref<1x256x80xf32, #tpu.memory_space<hbm>>
    %dma_start3A_47 = tpu.memref_squeeze %dma_start3A_46 : memref<1x256x80xf32, #tpu.memory_space<hbm>> -> memref<256x80xf32, #tpu.memory_space<hbm>>
    tpu.enqueue_dma source(%dma_start3A_47 : memref<256x80xf32, #tpu.memory_space<hbm>>) target(%arg7 : memref<256x80xf32, #tpu.memory_space<vmem>>) target_semaphore(%arg10 : memref<!tpu.dma_semaphore, #tpu.memory_space<semaphore_mem>>)
    %add3A_48 = arith.constant 0 : i32
    %add3A_49 = arith.addi %mul3A_32, %add3A_48 : i32
    %dma_wait3A = arith.constant 0 : i32
    %dma_wait3A_50 = tpu.memref_slice %arg2[%select_n3A, %add3A_49, %dma_wait3A] : memref<16x2048x80xf32, #tpu.memory_space<hbm>> -> memref<1x256x80xf32, #tpu.memory_space<hbm>>
    %dma_wait3A_51 = tpu.memref_squeeze %dma_wait3A_50 : memref<1x256x80xf32, #tpu.memory_space<hbm>> -> memref<256x80xf32, #tpu.memory_space<hbm>>
    %dma_wait3A_52 = arith.constant 0 : i32
    %dma_wait3A_53 = tpu.memref_slice %arg2[%select_n3A, %add3A_49, %dma_wait3A_52] : memref<16x2048x80xf32, #tpu.memory_space<hbm>> -> memref<1x256x80xf32, #tpu.memory_space<hbm>>
    %dma_wait3A_54 = tpu.memref_squeeze %dma_wait3A_53 : memref<1x256x80xf32, #tpu.memory_space<hbm>> -> memref<256x80xf32, #tpu.memory_space<hbm>>
    tpu.wait_dma2 semaphore(%arg9 : memref<!tpu.dma_semaphore, #tpu.memory_space<semaphore_mem>>) src(%dma_wait3A_54 : memref<256x80xf32, #tpu.memory_space<hbm>>) dst(%arg6 : memref<256x80xf32, #tpu.memory_space<vmem>>)
    %add3A_55 = arith.constant 0 : i32
    %add3A_56 = arith.addi %mul3A_32, %add3A_55 : i32
    %dma_start3A_57 = arith.constant 0 : i32
    %dma_start3A_58 = tpu.memref_slice %arg4[%select_n3A, %add3A_56, %dma_start3A_57] : memref<16x2048x80xf32, #tpu.memory_space<hbm>> -> memref<1x256x80xf32, #tpu.memory_space<hbm>>
    %dma_start3A_59 = tpu.memref_squeeze %dma_start3A_58 : memref<1x256x80xf32, #tpu.memory_space<hbm>> -> memref<256x80xf32, #tpu.memory_space<hbm>>
    %dma_start3A_60 = arith.constant 0 : i32
    %dma_start3A_61 = tpu.memref_slice %arg4[%select_n3A, %add3A_56, %dma_start3A_60] : memref<16x2048x80xf32, #tpu.memory_space<hbm>> -> memref<1x256x80xf32, #tpu.memory_space<hbm>>
    %dma_start3A_62 = tpu.memref_squeeze %dma_start3A_61 : memref<1x256x80xf32, #tpu.memory_space<hbm>> -> memref<256x80xf32, #tpu.memory_space<hbm>>
    tpu.enqueue_dma source(%arg6 : memref<256x80xf32, #tpu.memory_space<vmem>>) target(%dma_start3A_62 : memref<256x80xf32, #tpu.memory_space<hbm>>) target_semaphore(%arg11 : memref<!tpu.dma_semaphore, #tpu.memory_space<semaphore_mem>>)
    %add3A_63 = arith.constant 256 : i32
    %add3A_64 = arith.addi %mul3A_32, %add3A_63 : i32
    %dma_wait3A_65 = arith.constant 0 : i32
    %dma_wait3A_66 = tpu.memref_slice %arg2[%select_n3A, %add3A_64, %dma_wait3A_65] : memref<16x2048x80xf32, #tpu.memory_space<hbm>> -> memref<1x256x80xf32, #tpu.memory_space<hbm>>
    %dma_wait3A_67 = tpu.memref_squeeze %dma_wait3A_66 : memref<1x256x80xf32, #tpu.memory_space<hbm>> -> memref<256x80xf32, #tpu.memory_space<hbm>>
    %dma_wait3A_68 = arith.constant 0 : i32
    %dma_wait3A_69 = tpu.memref_slice %arg2[%select_n3A, %add3A_64, %dma_wait3A_68] : memref<16x2048x80xf32, #tpu.memory_space<hbm>> -> memref<1x256x80xf32, #tpu.memory_space<hbm>>
    %dma_wait3A_70 = tpu.memref_squeeze %dma_wait3A_69 : memref<1x256x80xf32, #tpu.memory_space<hbm>> -> memref<256x80xf32, #tpu.memory_space<hbm>>
    tpu.wait_dma2 semaphore(%arg10 : memref<!tpu.dma_semaphore, #tpu.memory_space<semaphore_mem>>) src(%dma_wait3A_70 : memref<256x80xf32, #tpu.memory_space<hbm>>) dst(%arg7 : memref<256x80xf32, #tpu.memory_space<vmem>>)
    %add3A_71 = arith.constant 256 : i32
    %add3A_72 = arith.addi %mul3A_32, %add3A_71 : i32
    %dma_start3A_73 = arith.constant 0 : i32
    %dma_start3A_74 = tpu.memref_slice %arg4[%select_n3A, %add3A_72, %dma_start3A_73] : memref<16x2048x80xf32, #tpu.memory_space<hbm>> -> memref<1x256x80xf32, #tpu.memory_space<hbm>>
    %dma_start3A_75 = tpu.memref_squeeze %dma_start3A_74 : memref<1x256x80xf32, #tpu.memory_space<hbm>> -> memref<256x80xf32, #tpu.memory_space<hbm>>
    %dma_start3A_76 = arith.constant 0 : i32
    %dma_start3A_77 = tpu.memref_slice %arg4[%select_n3A, %add3A_72, %dma_start3A_76] : memref<16x2048x80xf32, #tpu.memory_space<hbm>> -> memref<1x256x80xf32, #tpu.memory_space<hbm>>
    %dma_start3A_78 = tpu.memref_squeeze %dma_start3A_77 : memref<1x256x80xf32, #tpu.memory_space<hbm>> -> memref<256x80xf32, #tpu.memory_space<hbm>>
    tpu.enqueue_dma source(%arg7 : memref<256x80xf32, #tpu.memory_space<vmem>>) target(%dma_start3A_78 : memref<256x80xf32, #tpu.memory_space<hbm>>) target_semaphore(%arg12 : memref<!tpu.dma_semaphore, #tpu.memory_space<semaphore_mem>>)
    %add3A_79 = arith.constant 0 : i32
    %add3A_80 = arith.addi %mul3A_32, %add3A_79 : i32
    %dma_wait3A_81 = arith.constant 0 : i32
    %dma_wait3A_82 = tpu.memref_slice %arg4[%select_n3A, %add3A_80, %dma_wait3A_81] : memref<16x2048x80xf32, #tpu.memory_space<hbm>> -> memref<1x256x80xf32, #tpu.memory_space<hbm>>
    %dma_wait3A_83 = tpu.memref_squeeze %dma_wait3A_82 : memref<1x256x80xf32, #tpu.memory_space<hbm>> -> memref<256x80xf32, #tpu.memory_space<hbm>>
    %dma_wait3A_84 = arith.constant 0 : i32
    %dma_wait3A_85 = tpu.memref_slice %arg4[%select_n3A, %add3A_80, %dma_wait3A_84] : memref<16x2048x80xf32, #tpu.memory_space<hbm>> -> memref<1x256x80xf32, #tpu.memory_space<hbm>>
    %dma_wait3A_86 = tpu.memref_squeeze %dma_wait3A_85 : memref<1x256x80xf32, #tpu.memory_space<hbm>> -> memref<256x80xf32, #tpu.memory_space<hbm>>
    tpu.wait_dma2 semaphore(%arg11 : memref<!tpu.dma_semaphore, #tpu.memory_space<semaphore_mem>>) src(%arg6 : memref<256x80xf32, #tpu.memory_space<vmem>>) dst(%dma_wait3A_86 : memref<256x80xf32, #tpu.memory_space<hbm>>)
    %add3A_87 = arith.constant 512 : i32
    %add3A_88 = arith.addi %mul3A_32, %add3A_87 : i32
    %dma_start3A_89 = arith.constant 0 : i32
    %dma_start3A_90 = tpu.memref_slice %arg2[%select_n3A, %add3A_88, %dma_start3A_89] : memref<16x2048x80xf32, #tpu.memory_space<hbm>> -> memref<1x256x80xf32, #tpu.memory_space<hbm>>
    %dma_start3A_91 = tpu.memref_squeeze %dma_start3A_90 : memref<1x256x80xf32, #tpu.memory_space<hbm>> -> memref<256x80xf32, #tpu.memory_space<hbm>>
    %dma_start3A_92 = arith.constant 0 : i32
    %dma_start3A_93 = tpu.memref_slice %arg2[%select_n3A, %add3A_88, %dma_start3A_92] : memref<16x2048x80xf32, #tpu.memory_space<hbm>> -> memref<1x256x80xf32, #tpu.memory_space<hbm>>
    %dma_start3A_94 = tpu.memref_squeeze %dma_start3A_93 : memref<1x256x80xf32, #tpu.memory_space<hbm>> -> memref<256x80xf32, #tpu.memory_space<hbm>>
    tpu.enqueue_dma source(%dma_start3A_94 : memref<256x80xf32, #tpu.memory_space<hbm>>) target(%arg6 : memref<256x80xf32, #tpu.memory_space<vmem>>) target_semaphore(%arg9 : memref<!tpu.dma_semaphore, #tpu.memory_space<semaphore_mem>>)
    %add3A_95 = arith.constant 256 : i32
    %add3A_96 = arith.addi %mul3A_32, %add3A_95 : i32
    %dma_wait3A_97 = arith.constant 0 : i32
    %dma_wait3A_98 = tpu.memref_slice %arg4[%select_n3A, %add3A_96, %dma_wait3A_97] : memref<16x2048x80xf32, #tpu.memory_space<hbm>> -> memref<1x256x80xf32, #tpu.memory_space<hbm>>
    %dma_wait3A_99 = tpu.memref_squeeze %dma_wait3A_98 : memref<1x256x80xf32, #tpu.memory_space<hbm>> -> memref<256x80xf32, #tpu.memory_space<hbm>>
    %dma_wait3A_100 = arith.constant 0 : i32
    %dma_wait3A_101 = tpu.memref_slice %arg4[%select_n3A, %add3A_96, %dma_wait3A_100] : memref<16x2048x80xf32, #tpu.memory_space<hbm>> -> memref<1x256x80xf32, #tpu.memory_space<hbm>>
    %dma_wait3A_102 = tpu.memref_squeeze %dma_wait3A_101 : memref<1x256x80xf32, #tpu.memory_space<hbm>> -> memref<256x80xf32, #tpu.memory_space<hbm>>
    tpu.wait_dma2 semaphore(%arg12 : memref<!tpu.dma_semaphore, #tpu.memory_space<semaphore_mem>>) src(%arg7 : memref<256x80xf32, #tpu.memory_space<vmem>>) dst(%dma_wait3A_102 : memref<256x80xf32, #tpu.memory_space<hbm>>)
    %add3A_103 = arith.constant 768 : i32
    %add3A_104 = arith.addi %mul3A_32, %add3A_103 : i32
    %dma_start3A_105 = arith.constant 0 : i32
    %dma_start3A_106 = tpu.memref_slice %arg2[%select_n3A, %add3A_104, %dma_start3A_105] : memref<16x2048x80xf32, #tpu.memory_space<hbm>> -> memref<1x256x80xf32, #tpu.memory_space<hbm>>
    %dma_start3A_107 = tpu.memref_squeeze %dma_start3A_106 : memref<1x256x80xf32, #tpu.memory_space<hbm>> -> memref<256x80xf32, #tpu.memory_space<hbm>>
    %dma_start3A_108 = arith.constant 0 : i32
    %dma_start3A_109 = tpu.memref_slice %arg2[%select_n3A, %add3A_104, %dma_start3A_108] : memref<16x2048x80xf32, #tpu.memory_space<hbm>> -> memref<1x256x80xf32, #tpu.memory_space<hbm>>
    %dma_start3A_110 = tpu.memref_squeeze %dma_start3A_109 : memref<1x256x80xf32, #tpu.memory_space<hbm>> -> memref<256x80xf32, #tpu.memory_space<hbm>>
    tpu.enqueue_dma source(%dma_start3A_110 : memref<256x80xf32, #tpu.memory_space<hbm>>) target(%arg7 : memref<256x80xf32, #tpu.memory_space<vmem>>) target_semaphore(%arg10 : memref<!tpu.dma_semaphore, #tpu.memory_space<semaphore_mem>>)
    %add3A_111 = arith.constant 512 : i32
    %add3A_112 = arith.addi %mul3A_32, %add3A_111 : i32
    %dma_wait3A_113 = arith.constant 0 : i32
    %dma_wait3A_114 = tpu.memref_slice %arg2[%select_n3A, %add3A_112, %dma_wait3A_113] : memref<16x2048x80xf32, #tpu.memory_space<hbm>> -> memref<1x256x80xf32, #tpu.memory_space<hbm>>
    %dma_wait3A_115 = tpu.memref_squeeze %dma_wait3A_114 : memref<1x256x80xf32, #tpu.memory_space<hbm>> -> memref<256x80xf32, #tpu.memory_space<hbm>>
    %dma_wait3A_116 = arith.constant 0 : i32
    %dma_wait3A_117 = tpu.memref_slice %arg2[%select_n3A, %add3A_112, %dma_wait3A_116] : memref<16x2048x80xf32, #tpu.memory_space<hbm>> -> memref<1x256x80xf32, #tpu.memory_space<hbm>>
    %dma_wait3A_118 = tpu.memref_squeeze %dma_wait3A_117 : memref<1x256x80xf32, #tpu.memory_space<hbm>> -> memref<256x80xf32, #tpu.memory_space<hbm>>
    tpu.wait_dma2 semaphore(%arg9 : memref<!tpu.dma_semaphore, #tpu.memory_space<semaphore_mem>>) src(%dma_wait3A_118 : memref<256x80xf32, #tpu.memory_space<hbm>>) dst(%arg6 : memref<256x80xf32, #tpu.memory_space<vmem>>)
    %add3A_119 = arith.constant 512 : i32
    %add3A_120 = arith.addi %mul3A_32, %add3A_119 : i32
    %dma_start3A_121 = arith.constant 0 : i32
    %dma_start3A_122 = tpu.memref_slice %arg4[%select_n3A, %add3A_120, %dma_start3A_121] : memref<16x2048x80xf32, #tpu.memory_space<hbm>> -> memref<1x256x80xf32, #tpu.memory_space<hbm>>
    %dma_start3A_123 = tpu.memref_squeeze %dma_start3A_122 : memref<1x256x80xf32, #tpu.memory_space<hbm>> -> memref<256x80xf32, #tpu.memory_space<hbm>>
    %dma_start3A_124 = arith.constant 0 : i32
    %dma_start3A_125 = tpu.memref_slice %arg4[%select_n3A, %add3A_120, %dma_start3A_124] : memref<16x2048x80xf32, #tpu.memory_space<hbm>> -> memref<1x256x80xf32, #tpu.memory_space<hbm>>
    %dma_start3A_126 = tpu.memref_squeeze %dma_start3A_125 : memref<1x256x80xf32, #tpu.memory_space<hbm>> -> memref<256x80xf32, #tpu.memory_space<hbm>>
    tpu.enqueue_dma source(%arg6 : memref<256x80xf32, #tpu.memory_space<vmem>>) target(%dma_start3A_126 : memref<256x80xf32, #tpu.memory_space<hbm>>) target_semaphore(%arg11 : memref<!tpu.dma_semaphore, #tpu.memory_space<semaphore_mem>>)
    %add3A_127 = arith.constant 768 : i32
    %add3A_128 = arith.addi %mul3A_32, %add3A_127 : i32
    %dma_wait3A_129 = arith.constant 0 : i32
    %dma_wait3A_130 = tpu.memref_slice %arg2[%select_n3A, %add3A_128, %dma_wait3A_129] : memref<16x2048x80xf32, #tpu.memory_space<hbm>> -> memref<1x256x80xf32, #tpu.memory_space<hbm>>
    %dma_wait3A_131 = tpu.memref_squeeze %dma_wait3A_130 : memref<1x256x80xf32, #tpu.memory_space<hbm>> -> memref<256x80xf32, #tpu.memory_space<hbm>>
    %dma_wait3A_132 = arith.constant 0 : i32
    %dma_wait3A_133 = tpu.memref_slice %arg2[%select_n3A, %add3A_128, %dma_wait3A_132] : memref<16x2048x80xf32, #tpu.memory_space<hbm>> -> memref<1x256x80xf32, #tpu.memory_space<hbm>>
    %dma_wait3A_134 = tpu.memref_squeeze %dma_wait3A_133 : memref<1x256x80xf32, #tpu.memory_space<hbm>> -> memref<256x80xf32, #tpu.memory_space<hbm>>
    tpu.wait_dma2 semaphore(%arg10 : memref<!tpu.dma_semaphore, #tpu.memory_space<semaphore_mem>>) src(%dma_wait3A_134 : memref<256x80xf32, #tpu.memory_space<hbm>>) dst(%arg7 : memref<256x80xf32, #tpu.memory_space<vmem>>)
    %add3A_135 = arith.constant 768 : i32
    %add3A_136 = arith.addi %mul3A_32, %add3A_135 : i32
    %dma_start3A_137 = arith.constant 0 : i32
    %dma_start3A_138 = tpu.memref_slice %arg4[%select_n3A, %add3A_136, %dma_start3A_137] : memref<16x2048x80xf32, #tpu.memory_space<hbm>> -> memref<1x256x80xf32, #tpu.memory_space<hbm>>
    %dma_start3A_139 = tpu.memref_squeeze %dma_start3A_138 : memref<1x256x80xf32, #tpu.memory_space<hbm>> -> memref<256x80xf32, #tpu.memory_space<hbm>>
    %dma_start3A_140 = arith.constant 0 : i32
    %dma_start3A_141 = tpu.memref_slice %arg4[%select_n3A, %add3A_136, %dma_start3A_140] : memref<16x2048x80xf32, #tpu.memory_space<hbm>> -> memref<1x256x80xf32, #tpu.memory_space<hbm>>
    %dma_start3A_142 = tpu.memref_squeeze %dma_start3A_141 : memref<1x256x80xf32, #tpu.memory_space<hbm>> -> memref<256x80xf32, #tpu.memory_space<hbm>>
    tpu.enqueue_dma source(%arg7 : memref<256x80xf32, #tpu.memory_space<vmem>>) target(%dma_start3A_142 : memref<256x80xf32, #tpu.memory_space<hbm>>) target_semaphore(%arg12 : memref<!tpu.dma_semaphore, #tpu.memory_space<semaphore_mem>>)
    %eq3A_143 = arith.constant 0 : i32
    %eq3A_144 = arith.cmpi eq, %add3A, %eq3A_143 : i32
    %convert_element_type3A = arith.extui %eq3A_144 : i1 to i32
    %cond3A = arith.constant 0 : i32
    %cond3A_145 = arith.cmpi ne, %convert_element_type3A, %cond3A : i32
    scf.if %cond3A_145 {
      "tpu.region"() ({
        %run_scoped3A = tpu.sem_alloc : memref<!tpu.dma_semaphore, #tpu.memory_space<semaphore_mem>>
        tpu.enqueue_dma source(%arg3 : memref<16xi32, #tpu.memory_space<hbm>>) target(%arg8 : memref<16xi32, #tpu.memory_space<vmem>>) target_semaphore(%run_scoped3A : memref<!tpu.dma_semaphore, #tpu.memory_space<semaphore_mem>>)
        tpu.wait_dma2 semaphore(%run_scoped3A : memref<!tpu.dma_semaphore, #tpu.memory_space<semaphore_mem>>) src(%arg3 : memref<16xi32, #tpu.memory_space<hbm>>) dst(%arg8 : memref<16xi32, #tpu.memory_space<vmem>>)
        tpu.yield
      }) : () -> ()
      "tpu.region"() ({
        %run_scoped3A = tpu.sem_alloc : memref<!tpu.dma_semaphore, #tpu.memory_space<semaphore_mem>>
        tpu.enqueue_dma source(%arg8 : memref<16xi32, #tpu.memory_space<vmem>>) target(%arg5 : memref<16xi32, #tpu.memory_space<hbm>>) target_semaphore(%run_scoped3A : memref<!tpu.dma_semaphore, #tpu.memory_space<semaphore_mem>>)
        tpu.wait_dma2 semaphore(%run_scoped3A : memref<!tpu.dma_semaphore, #tpu.memory_space<semaphore_mem>>) src(%arg8 : memref<16xi32, #tpu.memory_space<vmem>>) dst(%arg5 : memref<16xi32, #tpu.memory_space<hbm>>)
        tpu.yield
      }) : () -> ()
    } else {
    }
    %add3A_146 = arith.constant 512 : i32
    %add3A_147 = arith.addi %mul3A_32, %add3A_146 : i32
    %dma_wait3A_148 = arith.constant 0 : i32
    %dma_wait3A_149 = tpu.memref_slice %arg4[%select_n3A, %add3A_147, %dma_wait3A_148] : memref<16x2048x80xf32, #tpu.memory_space<hbm>> -> memref<1x256x80xf32, #tpu.memory_space<hbm>>
    %dma_wait3A_150 = tpu.memref_squeeze %dma_wait3A_149 : memref<1x256x80xf32, #tpu.memory_space<hbm>> -> memref<256x80xf32, #tpu.memory_space<hbm>>
    %dma_wait3A_151 = arith.constant 0 : i32
    %dma_wait3A_152 = tpu.memref_slice %arg4[%select_n3A, %add3A_147, %dma_wait3A_151] : memref<16x2048x80xf32, #tpu.memory_space<hbm>> -> memref<1x256x80xf32, #tpu.memory_space<hbm>>
    %dma_wait3A_153 = tpu.memref_squeeze %dma_wait3A_152 : memref<1x256x80xf32, #tpu.memory_space<hbm>> -> memref<256x80xf32, #tpu.memory_space<hbm>>
    tpu.wait_dma2 semaphore(%arg11 : memref<!tpu.dma_semaphore, #tpu.memory_space<semaphore_mem>>) src(%arg6 : memref<256x80xf32, #tpu.memory_space<vmem>>) dst(%dma_wait3A_153 : memref<256x80xf32, #tpu.memory_space<hbm>>)
    %add3A_154 = arith.constant 768 : i32
    %add3A_155 = arith.addi %mul3A_32, %add3A_154 : i32
    %dma_wait3A_156 = arith.constant 0 : i32
    %dma_wait3A_157 = tpu.memref_slice %arg4[%select_n3A, %add3A_155, %dma_wait3A_156] : memref<16x2048x80xf32, #tpu.memory_space<hbm>> -> memref<1x256x80xf32, #tpu.memory_space<hbm>>
    %dma_wait3A_158 = tpu.memref_squeeze %dma_wait3A_157 : memref<1x256x80xf32, #tpu.memory_space<hbm>> -> memref<256x80xf32, #tpu.memory_space<hbm>>
    %dma_wait3A_159 = arith.constant 0 : i32
    %dma_wait3A_160 = tpu.memref_slice %arg4[%select_n3A, %add3A_155, %dma_wait3A_159] : memref<16x2048x80xf32, #tpu.memory_space<hbm>> -> memref<1x256x80xf32, #tpu.memory_space<hbm>>
    %dma_wait3A_161 = tpu.memref_squeeze %dma_wait3A_160 : memref<1x256x80xf32, #tpu.memory_space<hbm>> -> memref<256x80xf32, #tpu.memory_space<hbm>>
    tpu.wait_dma2 semaphore(%arg12 : memref<!tpu.dma_semaphore, #tpu.memory_space<semaphore_mem>>) src(%arg7 : memref<256x80xf32, #tpu.memory_space<vmem>>) dst(%dma_wait3A_161 : memref<256x80xf32, #tpu.memory_space<hbm>>)
    return
  }
}

</mosaic_0001>

<sc_bundles>
// kernel: kernel.3.cloned.1.call-start
scs
__scs_entry_jumppad:
0x0: {  	(pc) =	sbr.rel $0x88, $3  }
0x1: {  	(tag) =	ssettag $0x0;
	lr =	simm.s32 $0x1  }
0x2: {  	[smem:$0x3F9F] =	sst lr;
	_ =	strace $0xD0000000  }
0x3: {  	_ = 	snop  }
0x4: {  	_ = 	snop  }
0x5: {  	_ = 	snop  }
0x6: {  	_ = 	snop  }
0x7: {  	_ = 	snop  }
__scs_overlays_trampoline_lowered:
0x8: {  	[smem:$0x3FAE] =	sst s0  }
0x9: {  	[smem:$0x3FAF] =	sst s1  }
0xa: {  	[smem:$0x3FB0] =	sst s2  }
0xb: {  	[smem:$0x3FB1] =	sst s3  }
0xc: {  	[smem:$0x3FB2] =	sst s4  }
0xd: {  	[smem:$0x3FB3] =	sst s5  }
0xe: {  	[smem:$0x3FB4] =	sst s6  }
0xf: {  	[smem:$0x3FB5] =	sst s7  }
0x10: {  	[smem:$0x3FB6] =	sst s8  }
0x11: {  	[smem:$0x3FB7] =	sst s9;
	s0 =	simm.s32 @!p0 $0x0  }
0x12: {  	s1 =	sld [smem:$0x3F9D];
	s0 =	simm.s32 @p0 $0x1  }
0x13: {  	[smem:$0x3FB8] =	sst s0;
	s0 =	simm.s32 @!p1 $0x0  }
0x14: {  	s2 =	sld [smem:$0x3F9C];
	s0 =	simm.s32 @p1 $0x1  }
0x15: {  	[smem:$0x3FB9] =	sst s0;
	s0 =	simm.s32 @!p2 $0x0  }
0x16: {  	s3 =	sld [smem:$0x3FDB];
	s0 =	simm.s32 @p2 $0x1  }
0x17: {  	s4 =	simm.s32 $0x1BF5;
	[smem:$0x3FBB] =	sst s0  }
0x18: {  	s0 =	sld [smem:$0x3F9E];
	_ =	swait.ge [sflag:s4], $0x0  }
0x19: {  	s7 =	sld [smem:$0x3F9F]  }
0x1a: {  	s8 =	sadd.s32 $0xFFFFE003, lr  }
0x1b: {  	s9 =	sadd.s32 $0xFFFFFEF7, lr;
	s5 =	simm.s32 $0xFFFFFFFF;
	p2 =	slt.u32 s8, $0xFFFFF086  }
0x1c: {  	p1 =	slt.u32 s9, $0xF7A;
	s5 =	simm.s32 @!p2 $0x0  }
0x1d: {  	s5 =	simm.s32 @p1 $0x1;
	p0 =	seq.s32 s7, s2  }
0x1e: {  	s7 =	smul.u32 @!p0 $0xF7A, s2;
	p2 =	seq.s32 @!p0 s5, $0x0  }
0x1f: {  	s9 =	smul.u32 $0xF7A, s1;
	s8 =	simm.s32 @!p0 $0x1BF5;
	p2 =	por !p2, p0  }
0x20: {  	[sflag:s8] =	ssyncset.s32 @!p0 $0xFFFFF086;
	s6 =	sadd.s32 @!p0 s3, s7;
	s7 =	simm.s32 @!p0 $0x108  }
0x21: {  	s3 =	sadd.s32 s3, s9;
	s6 =	sadd.s32 @!p0 $0x88, s6;
	s7 =	simm.s32 @p2 $0x1082  }
0x22: {  	[simem:s7], [sflag:s8] =	dma.local @!p0 [hbm:s6], $0xF7A  }
0x23: {  	s9 =	sor.u32 $0xD0000000, s2;
	s6 =	simm.s32 $0x108;
	_ =	swait.ge @!p0 [sflag:s8], $0x0  }
0x24: {  	s3 =	sadd.s32 $0x88, s3;
	s6 =	simm.s32 @!p1 $0x1082;
	[sflag:s4] =	ssyncset.s32 $0xFFFFF086  }
0x25: {  	[simem:s6], [sflag:s4] =	dma.local [hbm:s3], $0xF7A  }
0x26: {  	[smem:$0x3F9F] =	sst s1;
	(tag) =	ssettag s2;
	_ =	strace s9  }
0x27: {  	s1 =	sld [smem:$0x3FAF]  }
0x28: {  	s2 =	sld [smem:$0x3FB0]  }
0x29: {  	s4 =	sld [smem:$0x3FB2]  }
0x2a: {  	p0 =	seq.s32 s5, $0x0;
	s5 =	sld [smem:$0x3FB3]  }
0x2b: {  	s6 =	sld [smem:$0x3FB4]  }
0x2c: {  	s7 =	sld [smem:$0x3FB5]  }
0x2d: {  	s3 =	simm.s32 $0x108;
	s8 =	sld [smem:$0x3FB6]  }
0x2e: {  	s3 =	simm.s32 @!p0 $0x1082;
	s9 =	sld [smem:$0x3FB7]  }
0x2f: {  	lr =	sadd.s32 s0, s3;
	s0 =	sld [smem:$0x3FAE]  }
0x30: {  	s3 =	sld [smem:$0x3FB1]  }
0x31: {  	[smem:$0x3FBA] =	sst s10  }
0x32: {  	s10 =	sld [smem:$0x3FB8];
	_ =	sdelay $0x3  }
0x33: {  	p0 =	seq.s32 s10, $0x1;
	s10 =	sld [smem:$0x3FBA];
	_ =	sdelay $0x3  }
0x34: {  	[smem:$0x3FBA] =	sst s10  }
0x35: {  	s10 =	sld [smem:$0x3FB9];
	_ =	sdelay $0x3  }
0x36: {  	p1 =	seq.s32 s10, $0x1;
	s10 =	sld [smem:$0x3FBA];
	_ =	sdelay $0x3  }
0x37: {  	[smem:$0x3FBA] =	sst s10  }
0x38: {  	s10 =	sld [smem:$0x3FBB]  }
0x39: {  	_ = 	snop;
	(pc) =	sbr.ind lr, $3  }
0x3a: {  	_ = 	snop  }
0x3b: {  	_ = 	snop  }
0x3c: {  	p2 =	seq.s32 s10, $0x1;
	s10 =	sld [smem:$0x3FBA]  }
0x3d: {  	_ =	shalt  }
0x3e: {  	_ =	shalt  }
0x3f: {  	_ =	shalt  }
0x40: {  	_ =	shalt  }
0x41: {  	_ =	shalt  }
0x42: {  	_ =	shalt  }
0x43: {  	_ =	shalt  }
0x44: {  	_ =	shalt  }
0x45: {  	_ =	shalt  }
0x46: {  	_ =	shalt  }
0x47: {  	_ =	shalt  }
0x48: {  	_ =	shalt  }
0x49: {  	_ =	shalt  }
0x4a: {  	_ =	shalt  }
0x4b: {  	_ =	shalt  }
0x4c: {  	_ =	shalt  }
0x4d: {  	_ =	shalt  }
0x4e: {  	_ =	shalt  }
0x4f: {  	_ =	shalt  }
0x50: {  	_ =	shalt  }
0x51: {  	_ =	shalt  }
0x52: {  	_ =	shalt  }
0x53: {  	_ =	shalt  }
0x54: {  	_ =	shalt  }
0x55: {  	_ =	shalt  }
0x56: {  	_ =	shalt  }
0x57: {  	_ =	shalt  }
0x58: {  	_ =	shalt  }
0x59: {  	_ =	shalt  }
0x5a: {  	_ =	shalt  }
0x5b: {  	_ =	shalt  }
0x5c: {  	_ =	shalt  }
0x5d: {  	_ =	shalt  }
0x5e: {  	_ =	shalt  }
0x5f: {  	_ =	shalt  }
0x60: {  	_ =	shalt  }
0x61: {  	_ =	shalt  }
0x62: {  	_ =	shalt  }
0x63: {  	_ =	shalt  }
0x64: {  	_ =	shalt  }
0x65: {  	_ =	shalt  }
0x66: {  	_ =	shalt  }
0x67: {  	_ =	shalt  }
0x68: {  	_ =	shalt  }
0x69: {  	_ =	shalt  }
0x6a: {  	_ =	shalt  }
0x6b: {  	_ =	shalt  }
0x6c: {  	_ =	shalt  }
0x6d: {  	_ =	shalt  }
0x6e: {  	_ =	shalt  }
0x6f: {  	_ =	shalt  }
0x70: {  	_ =	shalt  }
0x71: {  	_ =	shalt  }
0x72: {  	_ =	shalt  }
0x73: {  	_ =	shalt  }
0x74: {  	_ =	shalt  }
0x75: {  	_ =	shalt  }
0x76: {  	_ =	shalt  }
0x77: {  	_ =	shalt  }
0x78: {  	_ =	shalt  }
0x79: {  	_ =	shalt  }
0x7a: {  	_ =	shalt  }
0x7b: {  	_ =	shalt  }
0x7c: {  	_ =	shalt  }
0x7d: {  	_ =	shalt  }
0x7e: {  	_ =	shalt  }
0x7f: {  	_ =	shalt  }
0x80: {  	_ =	shalt  }
0x81: {  	_ =	shalt  }
0x82: {  	_ =	shalt  }
0x83: {  	_ =	shalt  }
0x84: {  	_ =	shalt  }
0x85: {  	_ =	shalt  }
0x86: {  	_ =	shalt  }
0x87: {  	_ =	shalt  }
.Lfunc_end0:
.L_simem_size_0:
called_computation_lowered:
.L_overlay_start_0:
0x88: {  	s2 =	sld [smem:$0x3FD9]  }
0x89: {  	s3 =	sld [smem:$0x3FFE];
	_ =	sdelay $0x1  }
0x8a: {  	s1 =	srdreg.scid  }
0x8b: {  	s0 =	sand.u32 $0x1, s1  }
0x8c: {  	s14 =	sshll.u32 s0, $0xA;
	s2 =	sadd.s32 s3, s2  }
0x8d: {  	s2 =	sadd.s32 s2, s14  }
0x8e: {  	[smem:$0x3FC6] =	sst s2  }
0x8f: {  	_ = 	snop  }
0x90: {  	s2 =	sld [smem:$0x3FD0];
	_ =	sdelay $0x2  }
0x91: {  	s4 =	simm.s32 $0xA;
	s5 =	simm.s32 $0x10;
	s15 =	sld [smem:$0x3FC8]  }
0x92: {  	[smem:s5], [sflag:s4] =	dma.local [hbm:s2], $0x1  }
0x93: {  	_ =	swait.eq [sflag:s4], $0x1  }
0x94: {  	[sflag:s4] =	ssyncset.done $0x0  }
0x95: {  	[sflag:s4] =	ssyncadd.s32 $0xFFFFFFFF  }
0x96: {  	s16 =	sld [smem:$0x11];
	(tm) =	ssettm $0x1  }
0x97: {  	s17 =	sld [smem:$0x3FFB];
	_ =	sdelay $0x3  }
0x98: {  	_ =	strace s17  }
0x99: {  	s4 =	sld [smem:$0x3FFC];
	_ =	sdelay $0x3  }
0x9a: {  	_ =	strace s4  }
0x9b: {  	s4 =	sld [smem:$0x3FFD];
	_ =	sdelay $0x3  }
0x9c: {  	_ =	strace s4  }
0x9d: {  	_ =	strace $0x8FFFFFFF  }
0x9e: {  	s18 =	sld [smem:$0x3FDB];
	_ =	sdelay $0x1  }
0x9f: {  	s19 =	simm.s32 $_scs_section_size  }
0xa0: {  	s6 =	simm.s32 $_size__tile_overlayer_lowered;
	s7 =	simm.s32 $_tile_overlayer_lowered  }
0xa1: {  	s22 =	simm.s32 $0x1BFF;
	s21 =	sshll.u32 s7, $0x1;
	s4 =	sadd.s32 s19, s18  }
0xa2: {  	s8 =	simm.s32 $0x0;
	s20 =	sshll.u32 s6, $0x1;
	s6 =	sadd.s32 s21, s4  }
0xa3: {  	[timem:s8], [sflag:s22] =	dma.local [hbm:s6], s20  }
0xa4: {  	_ =	swait.ge [sflag:s22], s20  }
0xa5: {  	s5 =	ssub.s32 $0x0, s20;
	[sflag:s22] =	ssyncset.done $0x0  }
0xa6: {  	[sflag:s22] =	ssyncadd.s32 s5;
	_ =	sdelay $0x1  }
0xa7: {  	s23 =	simm.s32 $0x1B8B  }
0xa8: {  	_ =	swait.ge [sflag:s23], $0x1  }
0xa9: {  	[sflag:s23] =	ssyncset.done $0x0  }
0xaa: {  	s25 =	simm.s32 $0x1B8E;
	s24 =	sld [smem:$0x3FFE];
	[sflag:s23] =	ssyncadd.s32 $0xFFFFFFFF  }
0xab: {  	s26 =	simm.s32 $execute0_lowered;
	[smem:$0x3FD2] =	sst s25  }
0xac: {  	s6 =	sshll.u32 s26, $0x1;
	_ =	strace $0x80000046;
	[dreg:$0x1] =	wrdreg $0xFFFFFFFF  }
0xad: {  	s28 =	simm.s32 $_size_execute0_lowered;
	s4 =	sadd.s32 s4, s6;
	[dreg:$0x0] =	wrdreg $0x0  }
0xae: {  	s6 =	sshll.u32 s28, $0x1;
	[dreg:$0x2] =	wrdreg s4  }
0xaf: {  	[dreg:$0x3] =	wrdreg s6  }
0xb0: {  	[dreg:$0x4] =	wrdreg $0xC0  }
0xb1: {  	_ =	task [dreg:s8], $0x5FFFF  }
0xb2: {  	[dreg:$0x1] =	wrdreg $0xFFFFFFFF  }
0xb3: {  	[dreg:$0x0] =	wrdreg $0x60  }
0xb4: {  	[dreg:$0x2] =	wrdreg s24  }
0xb5: {  	[dreg:$0x3] =	wrdreg s15  }
0xb6: {  	[dreg:$0x4] =	wrdreg s16  }
0xb7: {  	[dreg:$0x5] =	wrdreg $0x9  }
0xb8: {  	_ =	task.clear_ibuf [dreg:s8], $0x6FFFF;
	_ =	strace $0x90000046  }
0xb9: {  	s29 =	simm.s32 $0x9;
	_ =	strace $0x80000048  }
0xba: {  	_ =	swait.ge [sflag:s29], $0x1  }
0xbb: {  	[sflag:s29] =	ssyncadd.s32 $0xFFFFFFFF  }
0xbc: {  	_ =	strace $0x90000048  }
0xbd: {  	_ =	sfence  }
0xbe: {  	s30 =	sld [smem:$0x0];
	_ =	sdelay $0x2  }
0xbf: {  	s31 =	sshll.u32 s1, $0xD;
	s1 =	sshrl.u32 s1, $0x2  }
0xc0: {  	s3 =	sand.u32 $0x4000, s31;
	s1 =	sadd.s32 s1, s30  }
0xc1: {  	s0 =	sor.u32 s3, s0;
	s1 =	sshll.u32 s1, $0x11  }
0xc2: {  	s0 =	sor.u32 s1, s0  }
0xc3: {  	s0 =	sadd.s32 $0x8F2B, s0  }
0xc4: {  	[sflag:s0] =	ssyncadd.remote.s32 $0x1  }
0xc5: {  	_ =	sfence.sel $0xFFFF  }
0xc6: {  	[dreg:$0x0] =	wrdreg $0xFFFFFFFF;
	(pc) =	sbr.abs _section_cstart, $3  }
0xc7: {  	[dreg:$0x1] =	wrdreg $0xFFFFFFFF  }
0xc8: {  	_ =	task.clear_ibuf [dreg:s8], $0x2FFFF;
	_ =	strace $0x9FFFFFFF  }
0xc9: {  	(tm) =	ssettm $0x7FFFFFFF  }
tec
execute0_lowered:
.L_overlay_start_1:
0x0: {  	(tag) =	ssettag $0x1  }
0x1: {  	s1 =	srdreg.scid  }
0x2: {  	s0 =	stileid.u32;
	s21 =	sand.u32 $0x1, s1  }
0x3: {  	s18 =	sor.u32 s21, s0  }
0x4: {  	p1 =	seq.s32 s21, $0x1;
	p0 =	seq.s32 s18, $0x0  }
0x5: {  	p0 =	por !p0, !p1  }
0x6: {  	s9 =	rddreg [dreg:$0x0];
	s1 =	simm.s32 $0x1;
	p0 =	por !p0, !p0  }
0x7: {  	s2 =	rddreg [dreg:$0x1];
	s1 =	simm.s32 @!p0 $0x0  }
0x8: {  	s3 =	rddreg [dreg:$0x2];
	s1 =	ssub.s32 s0, s1  }
0x9: {  	s4 =	simm.s32 $0x0;
	s6 =	sshll.u32 s21, $0x11;
	s5 =	sshll.u32 s1, $0x12  }
0xa: {  	[smem:$0x7FF] =	sst s4;
	s5 =	sor.u32 s6, s5  }
0xb: {  	s15 =	sadd.s32 $0x800, s9;
	s1 =	rddreg [dreg:$0x3];
	s16 =	sshrl.u32 s5, $0x3  }
0xc: {  	_ =	strace $0x80000047;
	s5 =	sadd.s32 s15, s16;
	s11 =	sor.u32 $0x1000, s16  }
0xd: {  	[tilespmem:s4], [sflag:$0x1] =	stream.linear.gather [hbm4b:s5+s4], $0x8000, $0x38;
	[tilespmem:$0x10080] =	vst v63  }
0xe: {  	s8 =	simm.s32 $0x8000;
	s6 =	simm.s32 $0x1;
	s7 =	sadd.s32 s15, s11  }
0xf: {  	[tilespmem:s8], [sflag:$0x2] =	stream.linear.gather [hbm4b:s7+s4], $0x8000, $0x38;
	[tilespmem:$0x10080] =	vst v63  }
0x10: {  	_ =	swait.ge [sflag:s6], $0x8000  }
0x11: {  	s17 =	sadd.s32 $0x80800, s9;
	[sflag:s6] =	ssyncset.done $0x0  }
0x12: {  	s10 =	simm.s32 $0x2;
	s9 =	sadd.s32 s17, s16;
	[sflag:s6] =	ssyncadd.s32 $0xFFFF8000  }
0x13: {  	[hbm4b:s9+s4] =	stream.linear.scatter [tilespmem:s4], [sflag:$0x3], $0x8000, $0x38;
	[tilespmem:$0x10080] =	vst v63  }
0x14: {  	_ =	swait.ge [sflag:s10], $0x8000  }
0x15: {  	[sflag:s10] =	ssyncset.done $0x0  }
0x16: {  	s12 =	simm.s32 $0x3;
	s11 =	sadd.s32 s17, s11;
	[sflag:s10] =	ssyncadd.s32 $0xFFFF8000  }
0x17: {  	[hbm4b:s11+s4] =	stream.linear.scatter [tilespmem:s8], [sflag:$0x4], $0x8000, $0x38;
	[tilespmem:$0x10080] =	vst v63  }
0x18: {  	_ =	swait.ge [sflag:s12], $0x8000  }
0x19: {  	s19 =	sor.u32 $0x2000, s16;
	[sflag:s12] =	ssyncset.done $0x0  }
0x1a: {  	s13 =	simm.s32 $0x4;
	s14 =	sadd.s32 s15, s19;
	[sflag:s12] =	ssyncadd.s32 $0xFFFF8000  }
0x1b: {  	[tilespmem:s4], [sflag:$0x1] =	stream.linear.gather [hbm4b:s14+s4], $0x8000, $0x38;
	[tilespmem:$0x10080] =	vst v63  }
0x1c: {  	_ =	swait.ge [sflag:s13], $0x8000  }
0x1d: {  	s20 =	sor.u32 $0x3000, s16;
	[sflag:s13] =	ssyncset.done $0x0  }
0x1e: {  	s15 =	sadd.s32 s15, s20;
	[sflag:s13] =	ssyncadd.s32 $0xFFFF8000  }
0x1f: {  	[tilespmem:s8], [sflag:$0x2] =	stream.linear.gather [hbm4b:s15+s4], $0x8000, $0x38;
	[tilespmem:$0x10080] =	vst v63  }
0x20: {  	_ =	swait.ge [sflag:s6], $0x8000  }
0x21: {  	[sflag:s6] =	ssyncset.done $0x0  }
0x22: {  	s16 =	sadd.s32 s17, s19;
	[sflag:s6] =	ssyncadd.s32 $0xFFFF8000  }
0x23: {  	[hbm4b:s16+s4] =	stream.linear.scatter [tilespmem:s4], [sflag:$0x3], $0x8000, $0x38;
	[tilespmem:$0x10080] =	vst v63  }
0x24: {  	_ =	swait.ge [sflag:s10], $0x8000  }
0x25: {  	[sflag:s10] =	ssyncset.done $0x0  }
0x26: {  	p0 =	sne.s32 s18, $0x0;
	s17 =	sadd.s32 s17, s20;
	[sflag:s10] =	ssyncadd.s32 $0xFFFF8000  }
0x27: {  	[hbm4b:s17+s4] =	stream.linear.scatter [tilespmem:s8], [sflag:$0x4], $0x8000, $0x38;
	[tilespmem:$0x10080] =	vst v63  }
0x28: {  	s18 =	simm.s32 @!p0 $0x0;
	s19 =	simm.s32 @!p0 $0x10000;
	s20 =	simm.s32 @!p0 $0x5  }
0x29: {  	[tilespmem:s19], [sflag:$0x5] =	stream.linear.gather @!p0 [hbm4b:s2+s18], $0x80, $0x38;
	[tilespmem:$0x10080] =	vst v63  }
0x2a: {  	s21 =	ssub.s32 $0x2, s21;
	_ =	swait.ge @!p0 [sflag:s20], $0x80  }
0x2b: {  	s22 =	sshrl.u32 s21, $0x1;
	[sflag:s20] =	ssyncset.done @!p0 $0x0  }
0x2c: {  	s21 =	ssub.s32 s21, s22;
	[sflag:s20] =	ssyncadd.s32 @!p0 $0xFFFFFF80  }
0x2d: {  	[hbm4b:s3+s18] =	stream.linear.scatter @!p0 [tilespmem:s19], [sflag:$0x5], $0x80, $0x38;
	[tilespmem:$0x10080] =	vst v63  }
0x2e: {  	s21 =	smax.u32 s21, $0x1;
	_ =	swait.ge @!p0 [sflag:s20], $0x80  }
0x2f: {  	s21 =	sadd.s32 $0xFFFFFFFF, s21;
	[sflag:s20] =	ssyncset.done @!p0 $0x0  }
0x30: {  	p1 =	sne.s32 s21, $0x0;
	[sflag:s20] =	ssyncadd.s32 @!p0 $0xFFFFFF80  }
.Ltmp0:
0x31: {  	_ =	swait.ge [sflag:s12], $0x8000;
	(pc) =	sbr.rel @!p1 .LBB2_2-.Ltmp0, $4  }
0x32: {  	[sflag:s12] =	ssyncset.done $0x0  }
0x33: {  	[sflag:s12] =	ssyncadd.s32 $0xFFFF8000  }
0x34: {  	_ =	swait.ge [sflag:s13], $0x8000  }
0x35: {  	[sflag:s13] =	ssyncset.done $0x0  }
.LBB2_1:
0x36: {  	s21 =	sadd.s32 $0xFFFFFFFF, s21;
	[sflag:s13] =	ssyncadd.s32 $0xFFFF8000  }
0x37: {  	[tilespmem:s4], [sflag:$0x1] =	stream.linear.gather [hbm4b:s5+s4], $0x8000, $0x38;
	[tilespmem:$0x10080] =	vst v63  }
0x38: {  	p1 =	sne.s32 s21, $0x0  }
0x39: {  	[tilespmem:s8], [sflag:$0x2] =	stream.linear.gather [hbm4b:s7+s4], $0x8000, $0x38;
	[tilespmem:$0x10080] =	vst v63  }
0x3a: {  	_ =	swait.ge [sflag:s6], $0x8000  }
0x3b: {  	[sflag:s6] =	ssyncset.done $0x0  }
0x3c: {  	[sflag:s6] =	ssyncadd.s32 $0xFFFF8000  }
0x3d: {  	[hbm4b:s9+s4] =	stream.linear.scatter [tilespmem:s4], [sflag:$0x3], $0x8000, $0x38;
	[tilespmem:$0x10080] =	vst v63  }
0x3e: {  	_ =	swait.ge [sflag:s10], $0x8000  }
0x3f: {  	[sflag:s10] =	ssyncset.done $0x0  }
0x40: {  	[sflag:s10] =	ssyncadd.s32 $0xFFFF8000  }
0x41: {  	[hbm4b:s11+s4] =	stream.linear.scatter [tilespmem:s8], [sflag:$0x4], $0x8000, $0x38;
	[tilespmem:$0x10080] =	vst v63  }
0x42: {  	_ =	swait.ge [sflag:s12], $0x8000  }
0x43: {  	[sflag:s12] =	ssyncset.done $0x0  }
0x44: {  	[sflag:s12] =	ssyncadd.s32 $0xFFFF8000  }
0x45: {  	[tilespmem:s4], [sflag:$0x1] =	stream.linear.gather [hbm4b:s14+s4], $0x8000, $0x38;
	[tilespmem:$0x10080] =	vst v63  }
0x46: {  	_ =	swait.ge [sflag:s13], $0x8000  }
0x47: {  	[sflag:s13] =	ssyncset.done $0x0  }
0x48: {  	[sflag:s13] =	ssyncadd.s32 $0xFFFF8000  }
0x49: {  	[tilespmem:s8], [sflag:$0x2] =	stream.linear.gather [hbm4b:s15+s4], $0x8000, $0x38;
	[tilespmem:$0x10080] =	vst v63  }
0x4a: {  	_ =	swait.ge [sflag:s6], $0x8000  }
0x4b: {  	[sflag:s6] =	ssyncset.done $0x0  }
0x4c: {  	[sflag:s6] =	ssyncadd.s32 $0xFFFF8000  }
0x4d: {  	[hbm4b:s16+s4] =	stream.linear.scatter [tilespmem:s4], [sflag:$0x3], $0x8000, $0x38;
	[tilespmem:$0x10080] =	vst v63  }
0x4e: {  	_ =	swait.ge [sflag:s10], $0x8000  }
0x4f: {  	[sflag:s10] =	ssyncset.done $0x0  }
0x50: {  	[sflag:s10] =	ssyncadd.s32 $0xFFFF8000  }
0x51: {  	[hbm4b:s17+s4] =	stream.linear.scatter [tilespmem:s8], [sflag:$0x4], $0x8000, $0x38;
	[tilespmem:$0x10080] =	vst v63  }
0x52: {  	_ = 	snop  }
0x53: {  	[tilespmem:s19], [sflag:$0x5] =	stream.linear.gather @!p0 [hbm4b:s2+s18], $0x80, $0x38;
	[tilespmem:$0x10080] =	vst v63  }
0x54: {  	_ =	swait.ge @!p0 [sflag:s20], $0x80  }
0x55: {  	[sflag:s20] =	ssyncset.done @!p0 $0x0  }
0x56: {  	[sflag:s20] =	ssyncadd.s32 @!p0 $0xFFFFFF80  }
0x57: {  	[hbm4b:s3+s18] =	stream.linear.scatter @!p0 [tilespmem:s19], [sflag:$0x5], $0x80, $0x38;
	[tilespmem:$0x10080] =	vst v63  }
0x58: {  	_ =	swait.ge @!p0 [sflag:s20], $0x80  }
0x59: {  	[sflag:s20] =	ssyncset.done @!p0 $0x0  }
0x5a: {  	[sflag:s20] =	ssyncadd.s32 @!p0 $0xFFFFFF80  }
.Ltmp1:
0x5b: {  	_ =	swait.ge [sflag:s12], $0x8000;
	(pc) =	sbr.rel @p1 .LBB2_1-.Ltmp1, $4  }
0x5c: {  	[sflag:s12] =	ssyncset.done $0x0  }
0x5d: {  	[sflag:s12] =	ssyncadd.s32 $0xFFFF8000  }
0x5e: {  	_ =	swait.ge [sflag:s13], $0x8000  }
0x5f: {  	[sflag:s13] =	ssyncset.done $0x0  }
.LBB2_2:
0x60: {  	[sflag:s13] =	ssyncadd.s32 $0xFFFF8000  }
0x61: {  	_ =	sfence.sel $0x180000  }
0x62: {  	[bflag:$0x0] =	sbarrier.arrive $0xFFFF  }
0x63: {  	p0 =	sne.s32 s0, $0x0;
	_ =	strace $0x90000047  }
0x64: {  	s0 =	sadd.s32 @!p0 $0x100000, s1;
	[bflag:$0x2] =	sbarrier.arrive $0xFFFF  }
0x65: {  	[sflag:s0] =	ssyncadd.tile.s32 @!p0 $0x1;
	_ =	shalt  }
.Lfunc_end2:
_tile_overlayer_lowered:
.L_overlay_start_2:
0x66: {  	(tag) =	ssettag $0x2  }
0x67: {  	s0 =	rddreg [dreg:$0x0];
	s2 =	stileid.u32  }
0x68: {  	s1 =	rddreg [dreg:$0x1];
	p0 =	sne.s32 s2, $0x0  }
0x69: {  	s3 =	rddreg [dreg:$0x2];
	[bflag:$0x3] =	sbarrier.arrive $0xFFFF;
	s2 =	simm.s32 @!p0 $0x1C05  }
0x6a: {  	[timem:s3], [sflag:s2] =	dma.local @!p0 [hbm:s0], s1  }
0x6b: {  	s0 =	simm.s32 @!p0 $0x5  }
0x6c: {  	_ =	swait.ge @!p0 [sflag:s0], s1  }
0x6d: {  	s1 =	ssub.s32 @!p0 $0x0, s1;
	[sflag:s0] =	ssyncset.done @!p0 $0x0  }
0x6e: {  	[sflag:s0] =	ssyncadd.s32 @!p0 s1  }
0x6f: {  	[bflag:$0x3] =	sbarrier.arrive $0xFFFF  }
0x70: {  	_ =	shalt  }

</sc_bundles>
